<compile_context>
chip_gen: v7x
topology: tpu7x:2x2x1
jax: 0.10.2.dev20260603
libtpu: 0.0.44.dev20260713+nightly
codegen_flags: <defaults>
</compile_context>

<pallas_src>
import functools

import jax
import jax.numpy as jnp
from jax.experimental import pallas as pl
from jax.experimental.pallas import tpu as pltpu

_KT = 256
_LANE = 128


def _dot_k0(x, y):
    return jax.lax.dot_general(
        x, y, (((0,), (0,)), ((), ())), preferred_element_type=jnp.float32
    )


def _body(a3_ref, p_ref, wt_ref, wpe_ref, b_ref, at_tail_ref, wt_tail_ref, o_ref, *, kt, sgrp):
    k = pl.program_id(0)

    @pl.when(k == 0)
    def _init():
        p = p_ref[...].astype(jnp.bfloat16)
        wp = wpe_ref[...].astype(jnp.bfloat16)
        acc = jax.lax.dot_general(
            p, wp, (((1,), (1,)), ((), ())), preferred_element_type=jnp.float32
        )
        o_ref[...] = acc + b_ref[...]
        wtl = wt_tail_ref[...].astype(jnp.bfloat16)
        for i in range(sgrp):
            o_ref[pl.ds(i * _LANE, _LANE), :] += _dot_k0(
                at_tail_ref[i].astype(jnp.bfloat16), wtl
            )

    w = wt_ref[...].astype(jnp.bfloat16)
    for i in range(sgrp):
        a = a3_ref[:, i, :].astype(jnp.bfloat16)
        o_ref[pl.ds(i * _LANE, _LANE), :] += _dot_k0(a, w)


def kernel(input_ids, position_ids, W_wte, b_wte, W_wpe, b_wpe):
    b, s, v = input_ids.shape
    d = W_wte.shape[0]
    npos = position_ids.shape[-1]
    m = b * s
    sgrp = m // _LANE
    nk = v // _KT
    vmain = nk * _KT
    a3 = jnp.transpose(input_ids, (2, 0, 1)).reshape(v, sgrp, _LANE)
    wt = jnp.transpose(W_wte)
    p2 = position_ids.reshape(m, npos)
    bias = (b_wte + b_wpe).reshape(1, d)
    at_tail = jnp.transpose(a3[vmain:], (1, 0, 2))
    wt_tail = wt[vmain:]
    out = pl.pallas_call(
        functools.partial(_body, kt=_KT, sgrp=sgrp),
        grid=(nk,),
        in_specs=[
            pl.BlockSpec((_KT, sgrp, _LANE), lambda k: (k, 0, 0)),
            pl.BlockSpec((m, npos), lambda k: (0, 0)),
            pl.BlockSpec((_KT, d), lambda k: (k, 0)),
            pl.BlockSpec((d, npos), lambda k: (0, 0)),
            pl.BlockSpec((1, d), lambda k: (0, 0)),
            pl.BlockSpec((sgrp, v - vmain, _LANE), lambda k: (0, 0, 0)),
            pl.BlockSpec((v - vmain, d), lambda k: (0, 0)),
        ],
        out_specs=pl.BlockSpec((m, d), lambda k: (0, 0)),
        out_shape=jax.ShapeDtypeStruct((m, d), jnp.float32),
        compiler_params=pltpu.CompilerParams(
            dimension_semantics=("arbitrary",)
        ),
    )(a3, p2, wt, W_wpe, bias, at_tail, wt_tail)
    return out.reshape(b, s, d)

# --- scband reference (transcript-rebuilt; emitter-appended) ---
"""Pipeline reference for scband-gpt2-embedding-86148454023849 (READ-ONLY COPY).

The authoritative reference and input builder live on the scoring server;
editing this copy changes nothing except your own understanding.
"""

import jax, jax.numpy as jnp
import numpy as np

VOCAB = 50257
NPOS = 1024
D = 768
B = 1
S = 1024


def setup_inputs(seed: int = 0) -> dict:
    key = jax.random.key(seed)
    k1, k2, k3, k4 = jax.random.split(key, 4)
    # forward args: dense one-hot-style inputs (module uses nn.Linear on them)
    input_ids = jax.random.uniform(k1, (B, S, VOCAB), dtype=jnp.float32)
    position_ids = jax.random.uniform(k2, (B, S, NPOS), dtype=jnp.float32)
    # learned params: wte = nn.Linear(VOCAB, D) -> weight [D, VOCAB], bias [D]
    #                 wpe = nn.Linear(NPOS, D)  -> weight [D, NPOS],  bias [D]
    W_wte = jax.random.normal(k3, (D, VOCAB), dtype=jnp.float32) * 0.02
    b_wte = jnp.zeros((D,), dtype=jnp.float32)
    W_wpe = jax.random.normal(k4, (D, NPOS), dtype=jnp.float32) * 0.02
    b_wpe = jnp.zeros((D,), dtype=jnp.float32)
    return {
        "input_ids": input_ids,
        "position_ids": position_ids,
        "W_wte": W_wte,
        "b_wte": b_wte,
        "W_wpe": W_wpe,
        "b_wpe": b_wpe,
    }


def reference(input_ids, position_ids, W_wte, b_wte, W_wpe, b_wpe):
    # token_embeddings = self.wte(input_ids)  (Linear: x @ W.T + b)
    token_embeddings = jnp.einsum("bsv,dv->bsd", input_ids, W_wte) + b_wte
    # position_embeddings = self.wpe(position_ids)
    position_embeddings = jnp.einsum("bsp,dp->bsd", position_ids, W_wpe) + b_wpe
    return token_embeddings + position_embeddings

if __name__ == "__main__":
    import jax
    _d = setup_inputs()
    print(jax.jit(kernel)(*tuple(_d.values())))

</pallas_src>

<mosaic_0001>
module attributes {stable_mosaic.version = 14 : i64} {
  func.func @_body(%arg0: i32, %arg1: memref<256x8x128xf32, #tpu.memory_space<vmem>>, %arg2: memref<1024x1024xf32, #tpu.memory_space<vmem>>, %arg3: memref<256x768xf32, #tpu.memory_space<vmem>>, %arg4: memref<768x1024xf32, #tpu.memory_space<vmem>>, %arg5: memref<1x768xf32, #tpu.memory_space<vmem>>, %arg6: memref<8x81x128xf32, #tpu.memory_space<vmem>>, %arg7: memref<81x768xf32, #tpu.memory_space<vmem>>, %arg8: memref<1024x768xf32, #tpu.memory_space<vmem>>) attributes {dimension_semantics = [#tpu.dimension_semantics<arbitrary>], iteration_bounds = array<i64: 196>, scalar_prefetch = 0 : i64, scratch_operands = 0 : i64, tpu.core_type = #tpu.core_type<tc>, window_params = [{transform_indices = @transform_0, window_bounds = array<i64: 256, 8, 128>}, {pipeline_mode = #tpu.pipeline_mode<synchronous>, transform_indices = @transform_1, window_bounds = array<i64: 1024, 1024>}, {transform_indices = @transform_2, window_bounds = array<i64: 256, 768>}, {pipeline_mode = #tpu.pipeline_mode<synchronous>, transform_indices = @transform_3, window_bounds = array<i64: 768, 1024>}, {pipeline_mode = #tpu.pipeline_mode<synchronous>, transform_indices = @transform_4, window_bounds = array<i64: 1, 768>}, {pipeline_mode = #tpu.pipeline_mode<synchronous>, transform_indices = @transform_5, window_bounds = array<i64: 8, 81, 128>}, {pipeline_mode = #tpu.pipeline_mode<synchronous>, transform_indices = @transform_6, window_bounds = array<i64: 81, 768>}, {pipeline_mode = #tpu.pipeline_mode<synchronous>, transform_indices = @transform_7, window_bounds = array<i64: 1024, 768>}]} {
    %eq3A = arith.constant 0 : i32
    %eq3A_0 = arith.cmpi eq, %arg0, %eq3A : i32
    %convert_element_type3A = arith.extui %eq3A_0 : i1 to i32
    %cond3A = arith.constant 0 : i32
    %cond3A_1 = arith.cmpi ne, %convert_element_type3A, %cond3A : i32
    scf.if %cond3A_1 {
      %get3A_122 = arith.constant 0 : index
      %get3A_123 = arith.constant 0 : index
      %get3A_124 = vector.load %arg2[%get3A_122, %get3A_123] : memref<1024x1024xf32, #tpu.memory_space<vmem>>, vector<1024x1024xf32>
      %convert_element_type3A_125 = arith.truncf %get3A_124 : vector<1024x1024xf32> to vector<1024x1024xbf16>
      %get3A_126 = arith.constant 0 : index
      %get3A_127 = arith.constant 0 : index
      %get3A_128 = vector.load %arg4[%get3A_126, %get3A_127] : memref<768x1024xf32, #tpu.memory_space<vmem>>, vector<768x1024xf32>
      %convert_element_type3A_129 = arith.truncf %get3A_128 : vector<768x1024xf32> to vector<768x1024xbf16>
      %dot_general3A_130 = arith.constant dense<0.000000e+00> : vector<1024x768xf32>
      %dot_general3A_131 = tpu.matmul %convert_element_type3A_125, %convert_element_type3A_129, %dot_general3A_130 {dimension_numbers = #tpu.dot_dimension_numbers<[1], [1], [0], [0], [0, 0, 1, 0], [], []>, transpose_lhs_hint = false} : vector<1024x1024xbf16>, vector<768x1024xbf16>, vector<1024x768xf32> -> vector<1024x768xf32>
      %get3A_132 = arith.constant 0 : index
      %get3A_133 = arith.constant 0 : index
      %get3A_134 = vector.load %arg5[%get3A_132, %get3A_133] : memref<1x768xf32, #tpu.memory_space<vmem>>, vector<1x768xf32>
      %add3A_135 = vector.broadcast %get3A_134 : vector<1x768xf32> to vector<1024x768xf32>
      %add3A_136 = arith.addf %dot_general3A_131, %add3A_135 : vector<1024x768xf32>
      %swap3A_137 = arith.constant 0 : index
      %swap3A_138 = arith.constant 0 : index
      %swap3A_139 = vector.load %arg8[%swap3A_137, %swap3A_138] : memref<1024x768xf32, #tpu.memory_space<vmem>>, vector<1024x768xf32>
      tpu.vector_store %arg8[%swap3A_137, %swap3A_138], %add3A_136 {strides = array<i32>} : memref<1024x768xf32, #tpu.memory_space<vmem>>, vector<1024x768xf32>,
      %get3A_140 = arith.constant 0 : index
      %get3A_141 = arith.constant 0 : index
      %get3A_142 = vector.load %arg7[%get3A_140, %get3A_141] : memref<81x768xf32, #tpu.memory_space<vmem>>, vector<81x768xf32>
      %convert_element_type3A_143 = arith.truncf %get3A_142 : vector<81x768xf32> to vector<81x768xbf16>
      %get3A_144 = arith.constant 0 : index
      %get3A_145 = arith.constant 0 : index
      %get3A_146 = vector.load %arg8[%get3A_144, %get3A_145] : memref<1024x768xf32, #tpu.memory_space<vmem>>, vector<128x768xf32>
      %get3A_147 = arith.constant 0 : index
      %get3A_148 = arith.constant 0 : index
      %get3A_149 = arith.constant 0 : index
      %get3A_150 = vector.load %arg6[%get3A_147, %get3A_148, %get3A_149] : memref<8x81x128xf32, #tpu.memory_space<vmem>>, vector<1x81x128xf32>
      %get3A_151 = vector.shape_cast %get3A_150 : vector<1x81x128xf32> to vector<81x128xf32>
      %convert_element_type3A_152 = arith.truncf %get3A_151 : vector<81x128xf32> to vector<81x128xbf16>
      %dot_general3A_153 = arith.constant dense<0.000000e+00> : vector<128x768xf32>
      %dot_general3A_154 = tpu.matmul %convert_element_type3A_152, %convert_element_type3A_143, %dot_general3A_153 {dimension_numbers = #tpu.dot_dimension_numbers<[0], [0], [1], [1], [0, 1, 1, 1], [], []>, transpose_lhs_hint = false} : vector<81x128xbf16>, vector<81x768xbf16>, vector<128x768xf32> -> vector<128x768xf32>
      %add3A_155 = arith.addf %get3A_146, %dot_general3A_154 : vector<128x768xf32>
      %swap3A_156 = arith.constant 0 : index
      %swap3A_157 = arith.constant 0 : index
      %swap3A_158 = vector.load %arg8[%swap3A_156, %swap3A_157] : memref<1024x768xf32, #tpu.memory_space<vmem>>, vector<128x768xf32>
      tpu.vector_store %arg8[%swap3A_156, %swap3A_157], %add3A_155 {strides = array<i32>} : memref<1024x768xf32, #tpu.memory_space<vmem>>, vector<128x768xf32>,
      %get3A_159 = arith.constant 128 : index
      %get3A_160 = arith.constant 0 : index
      %get3A_161 = vector.load %arg8[%get3A_159, %get3A_160] : memref<1024x768xf32, #tpu.memory_space<vmem>>, vector<128x768xf32>
      %get3A_162 = arith.constant 1 : index
      %get3A_163 = arith.constant 0 : index
      %get3A_164 = arith.constant 0 : index
      %get3A_165 = vector.load %arg6[%get3A_162, %get3A_163, %get3A_164] : memref<8x81x128xf32, #tpu.memory_space<vmem>>, vector<1x81x128xf32>
      %get3A_166 = vector.shape_cast %get3A_165 : vector<1x81x128xf32> to vector<81x128xf32>
      %convert_element_type3A_167 = arith.truncf %get3A_166 : vector<81x128xf32> to vector<81x128xbf16>
      %dot_general3A_168 = arith.constant dense<0.000000e+00> : vector<128x768xf32>
      %dot_general3A_169 = tpu.matmul %convert_element_type3A_167, %convert_element_type3A_143, %dot_general3A_168 {dimension_numbers = #tpu.dot_dimension_numbers<[0], [0], [1], [1], [0, 1, 1, 1], [], []>, transpose_lhs_hint = false} : vector<81x128xbf16>, vector<81x768xbf16>, vector<128x768xf32> -> vector<128x768xf32>
      %add3A_170 = arith.addf %get3A_161, %dot_general3A_169 : vector<128x768xf32>
      %swap3A_171 = arith.constant 128 : index
      %swap3A_172 = arith.constant 0 : index
      %swap3A_173 = vector.load %arg8[%swap3A_171, %swap3A_172] : memref<1024x768xf32, #tpu.memory_space<vmem>>, vector<128x768xf32>
      tpu.vector_store %arg8[%swap3A_171, %swap3A_172], %add3A_170 {strides = array<i32>} : memref<1024x768xf32, #tpu.memory_space<vmem>>, vector<128x768xf32>,
      %get3A_174 = arith.constant 256 : index
      %get3A_175 = arith.constant 0 : index
      %get3A_176 = vector.load %arg8[%get3A_174, %get3A_175] : memref<1024x768xf32, #tpu.memory_space<vmem>>, vector<128x768xf32>
      %get3A_177 = arith.constant 2 : index
      %get3A_178 = arith.constant 0 : index
      %get3A_179 = arith.constant 0 : index
      %get3A_180 = vector.load %arg6[%get3A_177, %get3A_178, %get3A_179] : memref<8x81x128xf32, #tpu.memory_space<vmem>>, vector<1x81x128xf32>
      %get3A_181 = vector.shape_cast %get3A_180 : vector<1x81x128xf32> to vector<81x128xf32>
      %convert_element_type3A_182 = arith.truncf %get3A_181 : vector<81x128xf32> to vector<81x128xbf16>
      %dot_general3A_183 = arith.constant dense<0.000000e+00> : vector<128x768xf32>
      %dot_general3A_184 = tpu.matmul %convert_element_type3A_182, %convert_element_type3A_143, %dot_general3A_183 {dimension_numbers = #tpu.dot_dimension_numbers<[0], [0], [1], [1], [0, 1, 1, 1], [], []>, transpose_lhs_hint = false} : vector<81x128xbf16>, vector<81x768xbf16>, vector<128x768xf32> -> vector<128x768xf32>
      %add3A_185 = arith.addf %get3A_176, %dot_general3A_184 : vector<128x768xf32>
      %swap3A_186 = arith.constant 256 : index
      %swap3A_187 = arith.constant 0 : index
      %swap3A_188 = vector.load %arg8[%swap3A_186, %swap3A_187] : memref<1024x768xf32, #tpu.memory_space<vmem>>, vector<128x768xf32>
      tpu.vector_store %arg8[%swap3A_186, %swap3A_187], %add3A_185 {strides = array<i32>} : memref<1024x768xf32, #tpu.memory_space<vmem>>, vector<128x768xf32>,
      %get3A_189 = arith.constant 384 : index
      %get3A_190 = arith.constant 0 : index
      %get3A_191 = vector.load %arg8[%get3A_189, %get3A_190] : memref<1024x768xf32, #tpu.memory_space<vmem>>, vector<128x768xf32>
      %get3A_192 = arith.constant 3 : index
      %get3A_193 = arith.constant 0 : index
      %get3A_194 = arith.constant 0 : index
      %get3A_195 = vector.load %arg6[%get3A_192, %get3A_193, %get3A_194] : memref<8x81x128xf32, #tpu.memory_space<vmem>>, vector<1x81x128xf32>
      %get3A_196 = vector.shape_cast %get3A_195 : vector<1x81x128xf32> to vector<81x128xf32>
      %convert_element_type3A_197 = arith.truncf %get3A_196 : vector<81x128xf32> to vector<81x128xbf16>
      %dot_general3A_198 = arith.constant dense<0.000000e+00> : vector<128x768xf32>
      %dot_general3A_199 = tpu.matmul %convert_element_type3A_197, %convert_element_type3A_143, %dot_general3A_198 {dimension_numbers = #tpu.dot_dimension_numbers<[0], [0], [1], [1], [0, 1, 1, 1], [], []>, transpose_lhs_hint = false} : vector<81x128xbf16>, vector<81x768xbf16>, vector<128x768xf32> -> vector<128x768xf32>
      %add3A_200 = arith.addf %get3A_191, %dot_general3A_199 : vector<128x768xf32>
      %swap3A_201 = arith.constant 384 : index
      %swap3A_202 = arith.constant 0 : index
      %swap3A_203 = vector.load %arg8[%swap3A_201, %swap3A_202] : memref<1024x768xf32, #tpu.memory_space<vmem>>, vector<128x768xf32>
      tpu.vector_store %arg8[%swap3A_201, %swap3A_202], %add3A_200 {strides = array<i32>} : memref<1024x768xf32, #tpu.memory_space<vmem>>, vector<128x768xf32>,
      %get3A_204 = arith.constant 512 : index
      %get3A_205 = arith.constant 0 : index
      %get3A_206 = vector.load %arg8[%get3A_204, %get3A_205] : memref<1024x768xf32, #tpu.memory_space<vmem>>, vector<128x768xf32>
      %get3A_207 = arith.constant 4 : index
      %get3A_208 = arith.constant 0 : index
      %get3A_209 = arith.constant 0 : index
      %get3A_210 = vector.load %arg6[%get3A_207, %get3A_208, %get3A_209] : memref<8x81x128xf32, #tpu.memory_space<vmem>>, vector<1x81x128xf32>
      %get3A_211 = vector.shape_cast %get3A_210 : vector<1x81x128xf32> to vector<81x128xf32>
      %convert_element_type3A_212 = arith.truncf %get3A_211 : vector<81x128xf32> to vector<81x128xbf16>
      %dot_general3A_213 = arith.constant dense<0.000000e+00> : vector<128x768xf32>
      %dot_general3A_214 = tpu.matmul %convert_element_type3A_212, %convert_element_type3A_143, %dot_general3A_213 {dimension_numbers = #tpu.dot_dimension_numbers<[0], [0], [1], [1], [0, 1, 1, 1], [], []>, transpose_lhs_hint = false} : vector<81x128xbf16>, vector<81x768xbf16>, vector<128x768xf32> -> vector<128x768xf32>
      %add3A_215 = arith.addf %get3A_206, %dot_general3A_214 : vector<128x768xf32>
      %swap3A_216 = arith.constant 512 : index
      %swap3A_217 = arith.constant 0 : index
      %swap3A_218 = vector.load %arg8[%swap3A_216, %swap3A_217] : memref<1024x768xf32, #tpu.memory_space<vmem>>, vector<128x768xf32>
      tpu.vector_store %arg8[%swap3A_216, %swap3A_217], %add3A_215 {strides = array<i32>} : memref<1024x768xf32, #tpu.memory_space<vmem>>, vector<128x768xf32>,
      %get3A_219 = arith.constant 640 : index
      %get3A_220 = arith.constant 0 : index
      %get3A_221 = vector.load %arg8[%get3A_219, %get3A_220] : memref<1024x768xf32, #tpu.memory_space<vmem>>, vector<128x768xf32>
      %get3A_222 = arith.constant 5 : index
      %get3A_223 = arith.constant 0 : index
      %get3A_224 = arith.constant 0 : index
      %get3A_225 = vector.load %arg6[%get3A_222, %get3A_223, %get3A_224] : memref<8x81x128xf32, #tpu.memory_space<vmem>>, vector<1x81x128xf32>
      %get3A_226 = vector.shape_cast %get3A_225 : vector<1x81x128xf32> to vector<81x128xf32>
      %convert_element_type3A_227 = arith.truncf %get3A_226 : vector<81x128xf32> to vector<81x128xbf16>
      %dot_general3A_228 = arith.constant dense<0.000000e+00> : vector<128x768xf32>
      %dot_general3A_229 = tpu.matmul %convert_element_type3A_227, %convert_element_type3A_143, %dot_general3A_228 {dimension_numbers = #tpu.dot_dimension_numbers<[0], [0], [1], [1], [0, 1, 1, 1], [], []>, transpose_lhs_hint = false} : vector<81x128xbf16>, vector<81x768xbf16>, vector<128x768xf32> -> vector<128x768xf32>
      %add3A_230 = arith.addf %get3A_221, %dot_general3A_229 : vector<128x768xf32>
      %swap3A_231 = arith.constant 640 : index
      %swap3A_232 = arith.constant 0 : index
      %swap3A_233 = vector.load %arg8[%swap3A_231, %swap3A_232] : memref<1024x768xf32, #tpu.memory_space<vmem>>, vector<128x768xf32>
      tpu.vector_store %arg8[%swap3A_231, %swap3A_232], %add3A_230 {strides = array<i32>} : memref<1024x768xf32, #tpu.memory_space<vmem>>, vector<128x768xf32>,
      %get3A_234 = arith.constant 768 : index
      %get3A_235 = arith.constant 0 : index
      %get3A_236 = vector.load %arg8[%get3A_234, %get3A_235] : memref<1024x768xf32, #tpu.memory_space<vmem>>, vector<128x768xf32>
      %get3A_237 = arith.constant 6 : index
      %get3A_238 = arith.constant 0 : index
      %get3A_239 = arith.constant 0 : index
      %get3A_240 = vector.load %arg6[%get3A_237, %get3A_238, %get3A_239] : memref<8x81x128xf32, #tpu.memory_space<vmem>>, vector<1x81x128xf32>
      %get3A_241 = vector.shape_cast %get3A_240 : vector<1x81x128xf32> to vector<81x128xf32>
      %convert_element_type3A_242 = arith.truncf %get3A_241 : vector<81x128xf32> to vector<81x128xbf16>
      %dot_general3A_243 = arith.constant dense<0.000000e+00> : vector<128x768xf32>
      %dot_general3A_244 = tpu.matmul %convert_element_type3A_242, %convert_element_type3A_143, %dot_general3A_243 {dimension_numbers = #tpu.dot_dimension_numbers<[0], [0], [1], [1], [0, 1, 1, 1], [], []>, transpose_lhs_hint = false} : vector<81x128xbf16>, vector<81x768xbf16>, vector<128x768xf32> -> vector<128x768xf32>
      %add3A_245 = arith.addf %get3A_236, %dot_general3A_244 : vector<128x768xf32>
      %swap3A_246 = arith.constant 768 : index
      %swap3A_247 = arith.constant 0 : index
      %swap3A_248 = vector.load %arg8[%swap3A_246, %swap3A_247] : memref<1024x768xf32, #tpu.memory_space<vmem>>, vector<128x768xf32>
      tpu.vector_store %arg8[%swap3A_246, %swap3A_247], %add3A_245 {strides = array<i32>} : memref<1024x768xf32, #tpu.memory_space<vmem>>, vector<128x768xf32>,
      %get3A_249 = arith.constant 896 : index
      %get3A_250 = arith.constant 0 : index
      %get3A_251 = vector.load %arg8[%get3A_249, %get3A_250] : memref<1024x768xf32, #tpu.memory_space<vmem>>, vector<128x768xf32>
      %get3A_252 = arith.constant 7 : index
      %get3A_253 = arith.constant 0 : index
      %get3A_254 = arith.constant 0 : index
      %get3A_255 = vector.load %arg6[%get3A_252, %get3A_253, %get3A_254] : memref<8x81x128xf32, #tpu.memory_space<vmem>>, vector<1x81x128xf32>
      %get3A_256 = vector.shape_cast %get3A_255 : vector<1x81x128xf32> to vector<81x128xf32>
      %convert_element_type3A_257 = arith.truncf %get3A_256 : vector<81x128xf32> to vector<81x128xbf16>
      %dot_general3A_258 = arith.constant dense<0.000000e+00> : vector<128x768xf32>
      %dot_general3A_259 = tpu.matmul %convert_element_type3A_257, %convert_element_type3A_143, %dot_general3A_258 {dimension_numbers = #tpu.dot_dimension_numbers<[0], [0], [1], [1], [0, 1, 1, 1], [], []>, transpose_lhs_hint = false} : vector<81x128xbf16>, vector<81x768xbf16>, vector<128x768xf32> -> vector<128x768xf32>
      %add3A_260 = arith.addf %get3A_251, %dot_general3A_259 : vector<128x768xf32>
      %swap3A_261 = arith.constant 896 : index
      %swap3A_262 = arith.constant 0 : index
      %swap3A_263 = vector.load %arg8[%swap3A_261, %swap3A_262] : memref<1024x768xf32, #tpu.memory_space<vmem>>, vector<128x768xf32>
      tpu.vector_store %arg8[%swap3A_261, %swap3A_262], %add3A_260 {strides = array<i32>} : memref<1024x768xf32, #tpu.memory_space<vmem>>, vector<128x768xf32>,
    } else {
    }
    %get3A = arith.constant 0 : index
    %get3A_2 = arith.constant 0 : index
    %get3A_3 = vector.load %arg3[%get3A, %get3A_2] : memref<256x768xf32, #tpu.memory_space<vmem>>, vector<256x768xf32>
    %convert_element_type3A_4 = arith.truncf %get3A_3 : vector<256x768xf32> to vector<256x768xbf16>
    %get3A_5 = arith.constant 0 : index
    %get3A_6 = arith.constant 0 : index
    %get3A_7 = arith.constant 0 : index
    %get3A_8 = vector.load %arg1[%get3A_5, %get3A_6, %get3A_7] : memref<256x8x128xf32, #tpu.memory_space<vmem>>, vector<256x1x128xf32>
    %get3A_9 = vector.shape_cast %get3A_8 : vector<256x1x128xf32> to vector<256x128xf32>
    %convert_element_type3A_10 = arith.truncf %get3A_9 : vector<256x128xf32> to vector<256x128xbf16>
    %get3A_11 = arith.constant 0 : index
    %get3A_12 = arith.constant 0 : index
    %get3A_13 = vector.load %arg8[%get3A_11, %get3A_12] : memref<1024x768xf32, #tpu.memory_space<vmem>>, vector<128x768xf32>
    %dot_general3A = arith.constant dense<0.000000e+00> : vector<128x768xf32>
    %dot_general3A_14 = tpu.matmul %convert_element_type3A_10, %convert_element_type3A_4, %dot_general3A {dimension_numbers = #tpu.dot_dimension_numbers<[0], [0], [1], [1], [0, 1, 1, 1], [], []>, transpose_lhs_hint = false} : vector<256x128xbf16>, vector<256x768xbf16>, vector<128x768xf32> -> vector<128x768xf32>
    %add3A = arith.addf %get3A_13, %dot_general3A_14 : vector<128x768xf32>
    %swap3A = arith.constant 0 : index
    %swap3A_15 = arith.constant 0 : index
    %swap3A_16 = vector.load %arg8[%swap3A, %swap3A_15] : memref<1024x768xf32, #tpu.memory_space<vmem>>, vector<128x768xf32>
    tpu.vector_store %arg8[%swap3A, %swap3A_15], %add3A {strides = array<i32>} : memref<1024x768xf32, #tpu.memory_space<vmem>>, vector<128x768xf32>,
    %get3A_17 = arith.constant 0 : index
    %get3A_18 = arith.constant 1 : index
    %get3A_19 = arith.constant 0 : index
    %get3A_20 = vector.load %arg1[%get3A_17, %get3A_18, %get3A_19] : memref<256x8x128xf32, #tpu.memory_space<vmem>>, vector<256x1x128xf32>
    %get3A_21 = vector.shape_cast %get3A_20 : vector<256x1x128xf32> to vector<256x128xf32>
    %convert_element_type3A_22 = arith.truncf %get3A_21 : vector<256x128xf32> to vector<256x128xbf16>
    %get3A_23 = arith.constant 128 : index
    %get3A_24 = arith.constant 0 : index
    %get3A_25 = vector.load %arg8[%get3A_23, %get3A_24] : memref<1024x768xf32, #tpu.memory_space<vmem>>, vector<128x768xf32>
    %dot_general3A_26 = arith.constant dense<0.000000e+00> : vector<128x768xf32>
    %dot_general3A_27 = tpu.matmul %convert_element_type3A_22, %convert_element_type3A_4, %dot_general3A_26 {dimension_numbers = #tpu.dot_dimension_numbers<[0], [0], [1], [1], [0, 1, 1, 1], [], []>, transpose_lhs_hint = false} : vector<256x128xbf16>, vector<256x768xbf16>, vector<128x768xf32> -> vector<128x768xf32>
    %add3A_28 = arith.addf %get3A_25, %dot_general3A_27 : vector<128x768xf32>
    %swap3A_29 = arith.constant 128 : index
    %swap3A_30 = arith.constant 0 : index
    %swap3A_31 = vector.load %arg8[%swap3A_29, %swap3A_30] : memref<1024x768xf32, #tpu.memory_space<vmem>>, vector<128x768xf32>
    tpu.vector_store %arg8[%swap3A_29, %swap3A_30], %add3A_28 {strides = array<i32>} : memref<1024x768xf32, #tpu.memory_space<vmem>>, vector<128x768xf32>,
    %get3A_32 = arith.constant 0 : index
    %get3A_33 = arith.constant 2 : index
    %get3A_34 = arith.constant 0 : index
    %get3A_35 = vector.load %arg1[%get3A_32, %get3A_33, %get3A_34] : memref<256x8x128xf32, #tpu.memory_space<vmem>>, vector<256x1x128xf32>
    %get3A_36 = vector.shape_cast %get3A_35 : vector<256x1x128xf32> to vector<256x128xf32>
    %convert_element_type3A_37 = arith.truncf %get3A_36 : vector<256x128xf32> to vector<256x128xbf16>
    %get3A_38 = arith.constant 256 : index
    %get3A_39 = arith.constant 0 : index
    %get3A_40 = vector.load %arg8[%get3A_38, %get3A_39] : memref<1024x768xf32, #tpu.memory_space<vmem>>, vector<128x768xf32>
    %dot_general3A_41 = arith.constant dense<0.000000e+00> : vector<128x768xf32>
    %dot_general3A_42 = tpu.matmul %convert_element_type3A_37, %convert_element_type3A_4, %dot_general3A_41 {dimension_numbers = #tpu.dot_dimension_numbers<[0], [0], [1], [1], [0, 1, 1, 1], [], []>, transpose_lhs_hint = false} : vector<256x128xbf16>, vector<256x768xbf16>, vector<128x768xf32> -> vector<128x768xf32>
    %add3A_43 = arith.addf %get3A_40, %dot_general3A_42 : vector<128x768xf32>
    %swap3A_44 = arith.constant 256 : index
    %swap3A_45 = arith.constant 0 : index
    %swap3A_46 = vector.load %arg8[%swap3A_44, %swap3A_45] : memref<1024x768xf32, #tpu.memory_space<vmem>>, vector<128x768xf32>
    tpu.vector_store %arg8[%swap3A_44, %swap3A_45], %add3A_43 {strides = array<i32>} : memref<1024x768xf32, #tpu.memory_space<vmem>>, vector<128x768xf32>,
    %get3A_47 = arith.constant 0 : index
    %get3A_48 = arith.constant 3 : index
    %get3A_49 = arith.constant 0 : index
    %get3A_50 = vector.load %arg1[%get3A_47, %get3A_48, %get3A_49] : memref<256x8x128xf32, #tpu.memory_space<vmem>>, vector<256x1x128xf32>
    %get3A_51 = vector.shape_cast %get3A_50 : vector<256x1x128xf32> to vector<256x128xf32>
    %convert_element_type3A_52 = arith.truncf %get3A_51 : vector<256x128xf32> to vector<256x128xbf16>
    %get3A_53 = arith.constant 384 : index
    %get3A_54 = arith.constant 0 : index
    %get3A_55 = vector.load %arg8[%get3A_53, %get3A_54] : memref<1024x768xf32, #tpu.memory_space<vmem>>, vector<128x768xf32>
    %dot_general3A_56 = arith.constant dense<0.000000e+00> : vector<128x768xf32>
    %dot_general3A_57 = tpu.matmul %convert_element_type3A_52, %convert_element_type3A_4, %dot_general3A_56 {dimension_numbers = #tpu.dot_dimension_numbers<[0], [0], [1], [1], [0, 1, 1, 1], [], []>, transpose_lhs_hint = false} : vector<256x128xbf16>, vector<256x768xbf16>, vector<128x768xf32> -> vector<128x768xf32>
    %add3A_58 = arith.addf %get3A_55, %dot_general3A_57 : vector<128x768xf32>
    %swap3A_59 = arith.constant 384 : index
    %swap3A_60 = arith.constant 0 : index
    %swap3A_61 = vector.load %arg8[%swap3A_59, %swap3A_60] : memref<1024x768xf32, #tpu.memory_space<vmem>>, vector<128x768xf32>
    tpu.vector_store %arg8[%swap3A_59, %swap3A_60], %add3A_58 {strides = array<i32>} : memref<1024x768xf32, #tpu.memory_space<vmem>>, vector<128x768xf32>,
    %get3A_62 = arith.constant 0 : index
    %get3A_63 = arith.constant 4 : index
    %get3A_64 = arith.constant 0 : index
    %get3A_65 = vector.load %arg1[%get3A_62, %get3A_63, %get3A_64] : memref<256x8x128xf32, #tpu.memory_space<vmem>>, vector<256x1x128xf32>
    %get3A_66 = vector.shape_cast %get3A_65 : vector<256x1x128xf32> to vector<256x128xf32>
    %convert_element_type3A_67 = arith.truncf %get3A_66 : vector<256x128xf32> to vector<256x128xbf16>
    %get3A_68 = arith.constant 512 : index
    %get3A_69 = arith.constant 0 : index
    %get3A_70 = vector.load %arg8[%get3A_68, %get3A_69] : memref<1024x768xf32, #tpu.memory_space<vmem>>, vector<128x768xf32>
    %dot_general3A_71 = arith.constant dense<0.000000e+00> : vector<128x768xf32>
    %dot_general3A_72 = tpu.matmul %convert_element_type3A_67, %convert_element_type3A_4, %dot_general3A_71 {dimension_numbers = #tpu.dot_dimension_numbers<[0], [0], [1], [1], [0, 1, 1, 1], [], []>, transpose_lhs_hint = false} : vector<256x128xbf16>, vector<256x768xbf16>, vector<128x768xf32> -> vector<128x768xf32>
    %add3A_73 = arith.addf %get3A_70, %dot_general3A_72 : vector<128x768xf32>
    %swap3A_74 = arith.constant 512 : index
    %swap3A_75 = arith.constant 0 : index
    %swap3A_76 = vector.load %arg8[%swap3A_74, %swap3A_75] : memref<1024x768xf32, #tpu.memory_space<vmem>>, vector<128x768xf32>
    tpu.vector_store %arg8[%swap3A_74, %swap3A_75], %add3A_73 {strides = array<i32>} : memref<1024x768xf32, #tpu.memory_space<vmem>>, vector<128x768xf32>,
    %get3A_77 = arith.constant 0 : index
    %get3A_78 = arith.constant 5 : index
    %get3A_79 = arith.constant 0 : index
    %get3A_80 = vector.load %arg1[%get3A_77, %get3A_78, %get3A_79] : memref<256x8x128xf32, #tpu.memory_space<vmem>>, vector<256x1x128xf32>
    %get3A_81 = vector.shape_cast %get3A_80 : vector<256x1x128xf32> to vector<256x128xf32>
    %convert_element_type3A_82 = arith.truncf %get3A_81 : vector<256x128xf32> to vector<256x128xbf16>
    %get3A_83 = arith.constant 640 : index
    %get3A_84 = arith.constant 0 : index
    %get3A_85 = vector.load %arg8[%get3A_83, %get3A_84] : memref<1024x768xf32, #tpu.memory_space<vmem>>, vector<128x768xf32>
    %dot_general3A_86 = arith.constant dense<0.000000e+00> : vector<128x768xf32>
    %dot_general3A_87 = tpu.matmul %convert_element_type3A_82, %convert_element_type3A_4, %dot_general3A_86 {dimension_numbers = #tpu.dot_dimension_numbers<[0], [0], [1], [1], [0, 1, 1, 1], [], []>, transpose_lhs_hint = false} : vector<256x128xbf16>, vector<256x768xbf16>, vector<128x768xf32> -> vector<128x768xf32>
    %add3A_88 = arith.addf %get3A_85, %dot_general3A_87 : vector<128x768xf32>
    %swap3A_89 = arith.constant 640 : index
    %swap3A_90 = arith.constant 0 : index
    %swap3A_91 = vector.load %arg8[%swap3A_89, %swap3A_90] : memref<1024x768xf32, #tpu.memory_space<vmem>>, vector<128x768xf32>
    tpu.vector_store %arg8[%swap3A_89, %swap3A_90], %add3A_88 {strides = array<i32>} : memref<1024x768xf32, #tpu.memory_space<vmem>>, vector<128x768xf32>,
    %get3A_92 = arith.constant 0 : index
    %get3A_93 = arith.constant 6 : index
    %get3A_94 = arith.constant 0 : index
    %get3A_95 = vector.load %arg1[%get3A_92, %get3A_93, %get3A_94] : memref<256x8x128xf32, #tpu.memory_space<vmem>>, vector<256x1x128xf32>
    %get3A_96 = vector.shape_cast %get3A_95 : vector<256x1x128xf32> to vector<256x128xf32>
    %convert_element_type3A_97 = arith.truncf %get3A_96 : vector<256x128xf32> to vector<256x128xbf16>
    %get3A_98 = arith.constant 768 : index
    %get3A_99 = arith.constant 0 : index
    %get3A_100 = vector.load %arg8[%get3A_98, %get3A_99] : memref<1024x768xf32, #tpu.memory_space<vmem>>, vector<128x768xf32>
    %dot_general3A_101 = arith.constant dense<0.000000e+00> : vector<128x768xf32>
    %dot_general3A_102 = tpu.matmul %convert_element_type3A_97, %convert_element_type3A_4, %dot_general3A_101 {dimension_numbers = #tpu.dot_dimension_numbers<[0], [0], [1], [1], [0, 1, 1, 1], [], []>, transpose_lhs_hint = false} : vector<256x128xbf16>, vector<256x768xbf16>, vector<128x768xf32> -> vector<128x768xf32>
    %add3A_103 = arith.addf %get3A_100, %dot_general3A_102 : vector<128x768xf32>
    %swap3A_104 = arith.constant 768 : index
    %swap3A_105 = arith.constant 0 : index
    %swap3A_106 = vector.load %arg8[%swap3A_104, %swap3A_105] : memref<1024x768xf32, #tpu.memory_space<vmem>>, vector<128x768xf32>
    tpu.vector_store %arg8[%swap3A_104, %swap3A_105], %add3A_103 {strides = array<i32>} : memref<1024x768xf32, #tpu.memory_space<vmem>>, vector<128x768xf32>,
    %get3A_107 = arith.constant 0 : index
    %get3A_108 = arith.constant 7 : index
    %get3A_109 = arith.constant 0 : index
    %get3A_110 = vector.load %arg1[%get3A_107, %get3A_108, %get3A_109] : memref<256x8x128xf32, #tpu.memory_space<vmem>>, vector<256x1x128xf32>
    %get3A_111 = vector.shape_cast %get3A_110 : vector<256x1x128xf32> to vector<256x128xf32>
    %convert_element_type3A_112 = arith.truncf %get3A_111 : vector<256x128xf32> to vector<256x128xbf16>
    %get3A_113 = arith.constant 896 : index
    %get3A_114 = arith.constant 0 : index
    %get3A_115 = vector.load %arg8[%get3A_113, %get3A_114] : memref<1024x768xf32, #tpu.memory_space<vmem>>, vector<128x768xf32>
    %dot_general3A_116 = arith.constant dense<0.000000e+00> : vector<128x768xf32>
    %dot_general3A_117 = tpu.matmul %convert_element_type3A_112, %convert_element_type3A_4, %dot_general3A_116 {dimension_numbers = #tpu.dot_dimension_numbers<[0], [0], [1], [1], [0, 1, 1, 1], [], []>, transpose_lhs_hint = false} : vector<256x128xbf16>, vector<256x768xbf16>, vector<128x768xf32> -> vector<128x768xf32>
    %add3A_118 = arith.addf %get3A_115, %dot_general3A_117 : vector<128x768xf32>
    %swap3A_119 = arith.constant 896 : index
    %swap3A_120 = arith.constant 0 : index
    %swap3A_121 = vector.load %arg8[%swap3A_119, %swap3A_120] : memref<1024x768xf32, #tpu.memory_space<vmem>>, vector<128x768xf32>
    tpu.vector_store %arg8[%swap3A_119, %swap3A_120], %add3A_118 {strides = array<i32>} : memref<1024x768xf32, #tpu.memory_space<vmem>>, vector<128x768xf32>,
    return
  }
  func.func @transform_0(%arg0: i32) -> (i32, i32, i32) {
    %c0_i32 = arith.constant 0 : i32
    %c0_i32_0 = arith.constant 0 : i32
    %c0_i32_1 = arith.constant 0 : i32
    return %arg0, %c0_i32, %c0_i32_0 : i32, i32, i32
  }
  func.func @transform_1(%arg0: i32) -> (i32, i32) {
    %c0_i32 = arith.constant 0 : i32
    %c0_i32_0 = arith.constant 0 : i32
    %c0_i32_1 = arith.constant 0 : i32
    return %c0_i32, %c0_i32_0 : i32, i32
  }
  func.func @transform_2(%arg0: i32) -> (i32, i32) {
    %c0_i32 = arith.constant 0 : i32
    %c0_i32_0 = arith.constant 0 : i32
    return %arg0, %c0_i32 : i32, i32
  }
  func.func @transform_3(%arg0: i32) -> (i32, i32) {
    %c0_i32 = arith.constant 0 : i32
    %c0_i32_0 = arith.constant 0 : i32
    %c0_i32_1 = arith.constant 0 : i32
    return %c0_i32, %c0_i32_0 : i32, i32
  }
  func.func @transform_4(%arg0: i32) -> (i32, i32) {
    %c0_i32 = arith.constant 0 : i32
    %c0_i32_0 = arith.constant 0 : i32
    %c0_i32_1 = arith.constant 0 : i32
    return %c0_i32, %c0_i32_0 : i32, i32
  }
  func.func @transform_5(%arg0: i32) -> (i32, i32, i32) {
    %c0_i32 = arith.constant 0 : i32
    %c0_i32_0 = arith.constant 0 : i32
    %c0_i32_1 = arith.constant 0 : i32
    %c0_i32_2 = arith.constant 0 : i32
    return %c0_i32, %c0_i32_0, %c0_i32_1 : i32, i32, i32
  }
  func.func @transform_6(%arg0: i32) -> (i32, i32) {
    %c0_i32 = arith.constant 0 : i32
    %c0_i32_0 = arith.constant 0 : i32
    %c0_i32_1 = arith.constant 0 : i32
    return %c0_i32, %c0_i32_0 : i32, i32
  }
  func.func @transform_7(%arg0: i32) -> (i32, i32) {
    %c0_i32 = arith.constant 0 : i32
    %c0_i32_0 = arith.constant 0 : i32
    %c0_i32_1 = arith.constant 0 : i32
    return %c0_i32, %c0_i32_0 : i32, i32
  }
}

</mosaic_0001>

<sc_bundles>
// kernel: sparse-core-data-format-call.cloned.1.call-start
scs
called_computation_lowered:
.L_overlay_start_0:
0x0: {  	s2 =	sld [smem:$0x3FD9]  }
0x1: {  	s3 =	sld [smem:$0x3FFE];
	_ =	sdelay $0x1  }
0x2: {  	s1 =	srdreg.scid  }
0x3: {  	s0 =	sand.u32 $0x1, s1  }
0x4: {  	s18 =	sshll.u32 s0, $0xA;
	s2 =	sadd.s32 s3, s2  }
0x5: {  	s2 =	sadd.s32 s2, s18  }
0x6: {  	[smem:$0x3FC2] =	sst s2  }
0x7: {  	_ = 	snop  }
0x8: {  	s2 =	sld [smem:$0x3FC9];
	(tm) =	ssettm $0x1  }
0x9: {  	s19 =	sld [smem:$0x3FFB];
	_ =	sdelay $0x3  }
0xa: {  	_ =	strace s19  }
0xb: {  	s3 =	sld [smem:$0x3FFC];
	_ =	sdelay $0x3  }
0xc: {  	_ =	strace s3  }
0xd: {  	s3 =	sld [smem:$0x3FFD];
	_ =	sdelay $0x3  }
0xe: {  	_ =	strace s3  }
0xf: {  	_ =	strace $0x8FFFFFFF  }
0x10: {  	s20 =	sld [smem:$0x3FDB];
	_ =	sdelay $0x1  }
0x11: {  	s4 =	simm.s32 $_scs_section_size  }
0x12: {  	s5 =	simm.s32 $_size__tile_overlayer_lowered;
	s6 =	simm.s32 $_tile_overlayer_lowered  }
0x13: {  	s23 =	simm.s32 $0x1BFF;
	s22 =	sshll.u32 s6, $0x1;
	s3 =	sadd.s32 s4, s20  }
0x14: {  	s7 =	simm.s32 $0x0;
	s21 =	sshll.u32 s5, $0x1;
	s5 =	sadd.s32 s22, s3  }
0x15: {  	[timem:s7], [sflag:s23] =	dma.local [hbm:s5], s21  }
0x16: {  	_ =	swait.ge [sflag:s23], s21  }
0x17: {  	s4 =	ssub.s32 $0x0, s21;
	[sflag:s23] =	ssyncset.done $0x0  }
0x18: {  	[sflag:s23] =	ssyncadd.s32 s4;
	_ =	sdelay $0x1  }
0x19: {  	s24 =	simm.s32 $0x1B8B  }
0x1a: {  	_ =	swait.ge [sflag:s24], $0x1  }
0x1b: {  	[sflag:s24] =	ssyncset.done $0x0  }
0x1c: {  	s26 =	simm.s32 $0x1B8E;
	s25 =	sld [smem:$0x3FFE];
	[sflag:s24] =	ssyncadd.s32 $0xFFFFFFFF  }
0x1d: {  	s27 =	simm.s32 $execute0_lowered;
	[smem:$0x3FD2] =	sst s26  }
0x1e: {  	s5 =	sshll.u32 s27, $0x1;
	_ =	strace $0x80000046;
	[dreg:$0x1] =	wrdreg $0xFFFFFFFF  }
0x1f: {  	s28 =	simm.s32 $_size_execute0_lowered;
	s3 =	sadd.s32 s3, s5;
	[dreg:$0x0] =	wrdreg $0x0  }
0x20: {  	s5 =	sshll.u32 s28, $0x1;
	[dreg:$0x2] =	wrdreg s3  }
0x21: {  	[dreg:$0x3] =	wrdreg s5  }
0x22: {  	[dreg:$0x4] =	wrdreg $0xC0  }
0x23: {  	_ =	task [dreg:s7], $0x5FFFF  }
0x24: {  	[dreg:$0x1] =	wrdreg $0xFFFFFFFF  }
0x25: {  	[dreg:$0x0] =	wrdreg $0x60  }
0x26: {  	[dreg:$0x2] =	wrdreg s2  }
0x27: {  	[dreg:$0x3] =	wrdreg s25  }
0x28: {  	[dreg:$0x4] =	wrdreg $0x9  }
0x29: {  	_ =	task.clear_ibuf [dreg:s7], $0x5FFFF;
	_ =	strace $0x90000046  }
0x2a: {  	s29 =	simm.s32 $0x9;
	_ =	strace $0x80000048  }
0x2b: {  	_ =	swait.ge [sflag:s29], $0x1  }
0x2c: {  	[sflag:s29] =	ssyncadd.s32 $0xFFFFFFFF  }
0x2d: {  	_ =	strace $0x90000048  }
0x2e: {  	_ =	sfence  }
0x2f: {  	s30 =	sld [smem:$0x0];
	_ =	sdelay $0x2  }
0x30: {  	s31 =	sshll.u32 s1, $0xD;
	s1 =	sshrl.u32 s1, $0x2  }
0x31: {  	s3 =	sand.u32 $0x4000, s31;
	s1 =	sadd.s32 s1, s30  }
0x32: {  	s0 =	sor.u32 s3, s0;
	s1 =	sshll.u32 s1, $0x11  }
0x33: {  	s0 =	sor.u32 s1, s0  }
0x34: {  	s0 =	sadd.s32 $0x8F2B, s0  }
0x35: {  	[sflag:s0] =	ssyncadd.remote.s32 $0x1  }
0x36: {  	_ =	sfence.sel $0xFFFF  }
0x37: {  	[dreg:$0x0] =	wrdreg $0xFFFFFFFF;
	(pc) =	sbr.abs _section_cstart, $3  }
0x38: {  	[dreg:$0x1] =	wrdreg $0xFFFFFFFF  }
0x39: {  	_ =	task.clear_ibuf [dreg:s7], $0x2FFFF;
	_ =	strace $0x9FFFFFFF  }
0x3a: {  	(tm) =	ssettm $0x7FFFFFFF  }
0x3b: {  	_ =	shalt  }
tec
execute0_lowered:
.L_overlay_start_1:
0x0: {  	(tag) =	ssettag $0x1  }
0x1: {  	s0 =	stileid.u32;
	s7 =	rddreg [dreg:$0x0]  }
0x2: {  	s1 =	srdreg.scid;
	s6 =	rddreg [dreg:$0x1];
	s4 =	simm.s32 $0x1  }
0x3: {  	s30 =	simm.s32 $0x2;
	s2 =	sshll.u32 s0, $0x5;
	s1 =	sshll.u32 s1, $0x9  }
0x4: {  	s13 =	simm.s32 $0x0;
	s12 =	simm.s32 $0x0;
	s2 =	sor.u32 s2, s1  }
0x5: {  	s11 =	simm.s32 $0x0;
	s3 =	sshll.u32 s0, $0x7;
	s2 =	sand.u32 $0x380, s2  }
0x6: {  	s6 =	sadd.s32 $0xC00, s6;
	s3 =	sand.u32 $0x180, s3;
	s5 =	ssub.s32 $0x400, s2  }
0x7: {  	s1 =	rddreg [dreg:$0x2];
	s9 =	ssub.s32 $0xC400, s3;
	s8 =	sand.u32 $0x380, s5  }
0x8: {  	s9 =	sshrl.u32 s9, $0x9;
	p0 =	sne.s32 s8, $0x0;
	s8 =	simm.s32 $0x1  }
.Ltmp0:
0x9: {  	s5 =	sshrl.u32 s5, $0xA;
	s8 =	simm.s32 @!p0 $0x0;
	(pc) =	sbr.rel .LBB1_1-.Ltmp0, $4  }
0xa: {  	_ =	strace $0x80000047;
	s9 =	sadd.s32 $0x1, s9;
	s5 =	sadd.s32 s8, s5  }
0xb: {  	[sflag:s4] =	ssyncpa.u1 $0x0;
	s31 =	sshrl.u32 s2, $0x3;
	s5 =	smul.u32 s9, s5  }
0xc: {  	s10 =	smov.u32 s3;
	[sflag:s30] =	ssyncpa.u1 $0x0;
	s7 =	sadd.s32 s7, s31  }
0xd: {  	p0 =	por $0x0, $0x0;
	s9 =	simm.s32 $0x62400;
	s8 =	sadd.s32 $0x1, s5  }
.LBB1_4:
0xe: {  	s13 =	sshrl.u32 s13, $0x3  }
0xf: {  	s19 =	sshll.u32 s12, $0x3;
	s13 =	smul.u32 $0x62400, s13  }
0x10: {  	v5 =	vld [tilespmem:s17+$0xFFFFFFD0];
	[tilespmem:s16+$0x2040 ss:$0x81] =	vst.msk $0xffff, v4;
	s19 =	sand.u32 $0xFFFFFC00, s19  }
0x11: {  	v58 =	vld [tilespmem:s17+$0xFFFFFFE0];
	[tilespmem:s16+$0x2850 ss:$0x81] =	vst.msk $0xffff, v3;
	s30 =	sand.u32 $0x7F, s12;
	s13 =	sadd.s32 s19, s13  }
0x12: {  	s18 =	sshra.s32 s18, $0x2;
	v59 =	vld [tilespmem:s17+$0xFFFFFFF0];
	[tilespmem:s16+$0x3060 ss:$0x81] =	vst.msk $0xffff, v2;
	s12 =	sor.u32 s30, s13  }
0x13: {  	v60 =	vld [tilespmem:s17+$0x0];
	[tilespmem:s16+$0x0 ss:$0x81] =	vst.msk $0xffff, v0;
	s15 =	sadd.s32 s18, s15;
	s31 =	smulhi.u32 $0xA6C21DF7, s12  }
0x14: {  	v61 =	vld [tilespmem:s17+$0x10];
	[tilespmem:s15+$0x3870 ss:$0x81] =	vst.msk $0xffff, v1  }
0x15: {  	v62 =	vld [tilespmem:s17+$0x20];
	s13 =	smulhi.u32 $0xA6C21DF7, s13;
	[tilespmem:s15+$0x810 ss:$0x81] =	vst.msk $0xffff, v5;
	s16 =	sshrl.u32 s31, $0xF  }
0x16: {  	v63 =	vld [tilespmem:s17+$0xFFFFFFC0];
	[tilespmem:s15+$0x1020 ss:$0x81] =	vst.msk $0xffff, v58;
	s16 =	smul.u32 $0xC480, s16  }
0x17: {  	[tilespmem:s15+$0x1830 ss:$0x81] =	vst.msk $0xffff, v59;
	s13 =	sshrl.u32 s13, $0xF  }
0x18: {  	[tilespmem:s15+$0x2040 ss:$0x81] =	vst.msk $0xffff, v60;
	s13 =	sand.u32 $0x3FF, s13;
	s12 =	ssub.s32 s12, s16  }
0x19: {  	[tilespmem:s15+$0x2850 ss:$0x81] =	vst.msk $0xffff, v61;
	s13 =	smul.u32 $0x1890, s13;
	s16 =	sshrl.u32 s12, $0x3;
	s12 =	sand.u32 $0x7, s12  }
0x1a: {  	[tilespmem:s15+$0x3060 ss:$0x81] =	vst.msk $0xffff, v62;
	s16 =	sadd.s32 s6, s16;
	s12 =	sshll.u32 s12, $0x12  }
0x1b: {  	[tilespmem:s15+$0x0 ss:$0x81] =	vst.msk $0xffff, v63;
	s13 =	sadd.s32 s13, s16;
	s12 =	sor.u32 $0x400, s12  }
0x1c: {  	[hbm4b:s13+s12] =	stream.strided.scatter [tilespmem:s14], [sflag:$0x2], $0x4000, s9, s12, $0x20;
	[tilespmem:$0x10100] =	vst v63  }
.LBB1_5:
0x1d: {  	s14 =	sadd.s32 $0x200, s10  }
0x1e: {  	p2 =	sgt.s32 s14, $0xC450  }
0x1f: {  	s14 =	smov.u32 @p2 s3;
	p2 =	sne.s32 s11, s8  }
.Ltmp1:
0x20: {  	p1 =	slt.u32 s11, $0x2;
	(pc) =	sbr.rel @!p2 .LBB1_6-.Ltmp1, $4  }
0x21: {  	s13 =	simm.s32 @!p1 $0x2  }
0x22: {  	s15 =	sadd.s32 $0x1, s11;
	s12 =	smov.u32 s10;
	_ =	swait.ge @!p1 [sflag:s13], $0x4000  }
0x23: {  	p0 =	por !p0, !p0;
	s11 =	smov.u32 s15;
	[sflag:s13] =	ssyncset.done @!p1 $0x0  }
0x24: {  	s10 =	smov.u32 s14;
	[sflag:s13] =	ssyncadd.s32 @!p1 $0xFFFFC000;
	s13 =	smov.u32 s2  }
.LBB1_1:
0x25: {  	p1 =	sge.u32 s11, s5  }
0x26: {  	p2 =	sgt.s32 @!p1 s10, $0xC3D1  }
0x27: {  	s14 =	smov.u32 s10;
	s15 =	sshra.s32 @!p1 s10, $0x1F;
	p2 =	por !p2, p1  }
0x28: {  	s15 =	sand.u32 @!p1 s15, s10;
	s14 =	simm.s32 @p2 $0xC3D1  }
0x29: {  	s14 =	ssub.s32 @!p1 s14, s15  }
0x2a: {  	s31 =	sadd.s32 $0xFFFFFFFF, s11;
	s16 =	sxor.u32 @!p1 $0xFFFFFFFF, s11;
	s14 =	sadd.s32 @!p1 $0xFFFF3C2F, s14  }
0x2b: {  	s17 =	simm.s32 @!p1 $0x80;
	s18 =	simm.s32 @!p1 $0x400;
	s15 =	sshll.u32 @!p1 s14, $0x7  }
0x2c: {  	p2 =	sgt.s32 @!p1 s14, $0x7F;
	s14 =	ssub.s32 @!p1 $0x4000, s15;
	s15 =	sshll.u32 @!p1 s16, $0xE  }
0x2d: {  	p2 =	por !p2, p1;
	s16 =	sshll.u32 @!p1 s10, $0x7;
	s14 =	sand.u32 @!p1 $0x3FFFFF80, s14  }
0x2e: {  	s15 =	sand.u32 @!p1 $0x4000, s15;
	s16 =	sadd.s32 @!p1 s16, s7;
	s14 =	simm.s32 @!p2 $0x0  }
0x2f: {  	[tilespmem:s15], [sflag:$0x1] =	stream.strided.gather @!p1 [hbm4b:s16+s17], s14, s18, s17, $0x38;
	[tilespmem:$0x10100] =	vst v63  }
0x30: {  	p1 =	sge.u32 s31, s5  }
.Ltmp2:
0x31: {  	_ = 	snop;
	(pc) =	sbr.rel @p1 .LBB1_5-.Ltmp2, $1  }
0x32: {  	_ =	sdelay $0x3  }
0x33: {  	p1 =	sgt.s32 s12, $0xC3D1;
	s14 =	smov.u32 s12;
	s15 =	sshra.s32 s12, $0x1F  }
0x34: {  	s14 =	simm.s32 @!p1 $0xC3D1;
	s15 =	sand.u32 s15, s12  }
0x35: {  	s14 =	ssub.s32 s14, s15  }
0x36: {  	s14 =	sadd.s32 $0xFFFF3C2F, s14  }
0x37: {  	s29 =	sshll.u32 s14, $0x7  }
0x38: {  	s15 =	ssub.s32 $0x4000, s29  }
0x39: {  	p1 =	sgt.s32 s14, $0x7F;
	s14 =	sand.u32 $0x3FFFFF80, s15  }
0x3a: {  	s15 =	simm.s32 $0x1;
	s14 =	simm.s32 @p1 $0x0  }
0x3b: {  	s15 =	simm.s32 @!p0 $0x0;
	_ =	swait.ge [sflag:s4], s14  }
0x3c: {  	s16 =	sshll.u32 s15, $0xE;
	s14 =	ssub.s32 $0x0, s14;
	[sflag:s4] =	ssyncset.done $0x0  }
0x3d: {  	s17 =	sor.u32 $0x40, s16;
	[sflag:s4] =	ssyncadd.s32 s14  }
0x3e: {  	s30 =	smul.u32 $0x10200, s15;
	v0 =	vld [tilespmem:s17+$0x30]  }
0x3f: {  	v1 =	vld [tilespmem:s17+$0xFFFFFFD0]  }
0x40: {  	s14 =	sshrl.u32 s30, $0x2;
	v5 =	vld [tilespmem:s17+$0xFFFFFFE0]  }
0x41: {  	s15 =	sor.u32 $0x8000, s14;
	v6 =	vld [tilespmem:s17+$0xFFFFFFF0]  }
0x42: {  	s31 =	sand.u32 $0x1, s11;
	v4 =	vld [tilespmem:s17+$0x0];
	s16 =	sadd.s32 $0x0, s15  }
0x43: {  	s14 =	smul.u32 $0x10200, s31;
	v3 =	vld [tilespmem:s17+$0x10];
	[tilespmem:s16+$0x3870 ss:$0x81] =	vst.msk $0xffff, v0  }
0x44: {  	v2 =	vld [tilespmem:s17+$0x20];
	[tilespmem:s16+$0x810 ss:$0x81] =	vst.msk $0xffff, v1  }
0x45: {  	s14 =	sshrl.u32 s14, $0x2;
	v0 =	vld [tilespmem:s17+$0xFFFFFFC0];
	[tilespmem:s16+$0x1020 ss:$0x81] =	vst.msk $0xffff, v5;
	s17 =	sadd.s32 $0x80, s17  }
0x46: {  	s18 =	simm.s32 $0x4;
	s19 =	simm.s32 $0x8;
	s14 =	sor.u32 $0x8000, s14;
	[tilespmem:s16+$0x1830 ss:$0x81] =	vst.msk $0xffff, v6;
	v1 =	vld [tilespmem:s17+$0x30]  }
.LBB1_3:
0x47: {  	p1 =	sne.s32 s19, $0x1FC;
	v5 =	vld [tilespmem:s17+$0xFFFFFFD0];
	[tilespmem:s16+$0x2040 ss:$0x81] =	vst.msk $0xffff, v4  }
0x48: {  	v6 =	vld [tilespmem:s17+$0xFFFFFFE0];
	[tilespmem:s16+$0x2850 ss:$0x81] =	vst.msk $0xffff, v3  }
0x49: {  	s20 =	sshra.s32 s18, $0x2;
	s18 =	smov.u32 s19;
	v7 =	vld [tilespmem:s17+$0xFFFFFFF0];
	[tilespmem:s16+$0x3060 ss:$0x81] =	vst.msk $0xffff, v2  }
.Ltmp3:
0x4a: {  	v4 =	vld [tilespmem:s17+$0x0];
	[tilespmem:s16+$0x0 ss:$0x81] =	vst.msk $0xffff, v0;
	s16 =	sadd.s32 s20, s15;
	(pc) =	sbr.rel @p1 .LBB1_3-.Ltmp3, $4  }
0x4b: {  	v3 =	vld [tilespmem:s17+$0x10];
	[tilespmem:s16+$0x3870 ss:$0x81] =	vst.msk $0xffff, v1  }
0x4c: {  	[tilespmem:s16+$0x810 ss:$0x81] =	vst.msk $0xffff, v5;
	v2 =	vld [tilespmem:s17+$0x20]  }
0x4d: {  	v0 =	vld [tilespmem:s17+$0xFFFFFFC0];
	[tilespmem:s16+$0x1020 ss:$0x81] =	vst.msk $0xffff, v6;
	s17 =	sadd.s32 $0x80, s17  }
0x4e: {  	s19 =	sadd.s32 $0x4, s19;
	v1 =	vld [tilespmem:s17+$0x30];
	[tilespmem:s16+$0x1830 ss:$0x81] =	vst.msk $0xffff, v7  }
.Ltmp4:
0x4f: {  	_ = 	snop;
	(pc) =	sbr.rel .LBB1_4-.Ltmp4, $1  }
0x50: {  	_ =	sdelay $0x3  }
.LBB1_6:
0x51: {  	_ =	sfence.sel $0x180000  }
0x52: {  	s2 =	simm.s32 $0x1;
	[bflag:$0x0] =	sbarrier.arrive $0xFFFF  }
0x53: {  	s31 =	simm.s32 $0x2;
	[sflag:s2] =	ssyncpa.u1 $0x1  }
0x54: {  	[sflag:s31] =	ssyncpa.u1 $0x1  }
0x55: {  	p0 =	sne.s32 s0, $0x0;
	_ =	strace $0x90000047  }
0x56: {  	s0 =	sadd.s32 @!p0 $0x100000, s1;
	[bflag:$0x2] =	sbarrier.arrive $0xFFFF  }
0x57: {  	[sflag:s0] =	ssyncadd.tile.s32 @!p0 $0x1;
	_ =	shalt  }
.Lfunc_end1:
_tile_overlayer_lowered:
.L_overlay_start_2:
0x58: {  	(tag) =	ssettag $0x2  }
0x59: {  	s0 =	rddreg [dreg:$0x0];
	s2 =	stileid.u32  }
0x5a: {  	s1 =	rddreg [dreg:$0x1];
	p0 =	sne.s32 s2, $0x0  }
0x5b: {  	s3 =	rddreg [dreg:$0x2];
	[bflag:$0x3] =	sbarrier.arrive $0xFFFF;
	s2 =	simm.s32 @!p0 $0x1C01  }
0x5c: {  	[timem:s3], [sflag:s2] =	dma.local @!p0 [hbm:s0], s1  }
0x5d: {  	s0 =	simm.s32 @!p0 $0x1  }
0x5e: {  	_ =	swait.ge @!p0 [sflag:s0], s1  }
0x5f: {  	s1 =	ssub.s32 @!p0 $0x0, s1;
	[sflag:s0] =	ssyncset.done @!p0 $0x0  }
0x60: {  	[sflag:s0] =	ssyncadd.s32 @!p0 s1  }
0x61: {  	[bflag:$0x3] =	sbarrier.arrive $0xFFFF  }
0x62: {  	_ =	shalt  }

</sc_bundles>
